<compile_context>
chip_gen: v7x
topology: tpu7x:2x2x1
jax: 0.10.2.dev20260603
libtpu: 0.0.44.dev20260713+nightly
codegen_flags: <defaults>
</compile_context>

<pallas_src>
import functools

import jax
import jax.numpy as jnp
from jax import lax
from jax.experimental import pallas as pl
from jax.experimental.pallas import tpu as pltpu
from jax.experimental.pallas import tpu_sc as plsc

_NUM_CORES = 2
_NUM_SUBCORES = 16
_NW = _NUM_CORES * _NUM_SUBCORES


_VB = 16384


def _tr_body(x_ref, o_ref):
  x = x_ref[...]
  xc = jnp.concatenate([x[:, :_VB], x[:, _VB:]], axis=0)
  o_ref[...] = xc.T


def _transpose_detile(table):
  D, V = table.shape
  grid = -(-V // (2 * _VB))
  out = pl.pallas_call(
      _tr_body,
      grid=(grid,),
      in_specs=[pl.BlockSpec((D, 2 * _VB), lambda i: (0, i))],
      out_specs=pl.BlockSpec((_VB, 2 * D), lambda i: (i, 0)),
      out_shape=jax.ShapeDtypeStruct((grid * _VB, 2 * D), jnp.float32),
  )(table)
  return out.reshape(2 * grid * _VB, D)


def _make_gather_pool(B, CTX, D, b_per_w):
  mesh = plsc.VectorSubcoreMesh(
      core_axis_name="c", subcore_axis_name="s", num_cores=_NUM_CORES,
      num_subcores=_NUM_SUBCORES)

  @functools.partial(
      pl.kernel,
      mesh=mesh,
      compiler_params=pltpu.CompilerParams(use_tc_tiling_on_sc=False),
      out_type=jax.ShapeDtypeStruct((B, D), jnp.float32),
      scratch_types=[
          pltpu.VMEM((CTX, b_per_w), jnp.int32),
          pltpu.VMEM((b_per_w, D), jnp.float32),
          pltpu.SemaphoreType.DMA,
      ],
  )
  def gather_pool(idx_hbm, table_hbm, out_hbm, idx_t, acc_v, sem):
    wid = lax.axis_index("s") * _NUM_CORES + lax.axis_index("c")
    base = wid * b_per_w
    pltpu.sync_copy(idx_hbm.at[wid], idx_t)

    pltpu.async_copy(table_hbm.at[idx_t.at[0]], acc_v, sem).wait()

    def fire(j, carry):
      pltpu.async_copy(table_hbm.at[idx_t.at[j]], acc_v, sem, add=True)
      return carry

    lax.fori_loop(1, CTX, fire, 0)

    def drain(j, carry):
      pltpu.make_async_copy(table_hbm.at[idx_t.at[0]], acc_v, sem).wait()
      return carry

    lax.fori_loop(1, CTX, drain, 0)

    pltpu.sync_copy(acc_v, out_hbm.at[pl.ds(base, b_per_w)])

  return gather_pool


def _linear_body(w_ref, x_ref, b_ref, o_ref):
  o_ref[...] = (
      lax.dot_general(
          w_ref[...], x_ref[...], (((1,), (1,)), ((), ())),
          preferred_element_type=jnp.float32)
      + b_ref[...]
  )


def _linear(pooled, w, bias_col, bm):
  B, D = pooled.shape
  N = w.shape[0]
  return pl.pallas_call(
      _linear_body,
      grid=(B // bm,),
      in_specs=[
          pl.BlockSpec((N, D), lambda i: (0, 0)),
          pl.BlockSpec((bm, D), lambda i: (i, 0)),
          pl.BlockSpec((N, 1), lambda i: (0, 0)),
      ],
      out_specs=pl.BlockSpec((N, bm), lambda i: (0, i)),
      out_shape=jax.ShapeDtypeStruct((N, B), jnp.float32),
  )(w, pooled, bias_col)


def kernel(inputs, embed_table, fc_w, fc_b):
  B, CTX = inputs.shape
  V, D = embed_table.shape
  N = fc_w.shape[0]
  b_per_w = B // _NW

  v = inputs.astype(jnp.int32)
  idx = 2 * ((v // (2 * _VB)) * _VB + (v % _VB)) + ((v // _VB) % 2)
  idx = jnp.transpose(idx.reshape(_NW, b_per_w, CTX), (0, 2, 1))
  table_lin = _transpose_detile(jnp.transpose(embed_table))
  pooled = _make_gather_pool(B, CTX, D, b_per_w)(idx, table_lin)
  logits_t = _linear(pooled, fc_w, fc_b.reshape(N, 1), bm=512)
  return jnp.transpose(logits_t)

# --- scband reference (transcript-rebuilt; emitter-appended) ---
"""Pipeline reference for scband-cbow-8203387535633 (READ-ONLY COPY).

The authoritative reference and input builder live on the scoring server;
editing this copy changes nothing except your own understanding.
"""

import jax, jax.numpy as jnp
import numpy as np

VOCAB_SIZE = 1000000
EMBED_DIM = 64
N_CLASSES = 1000
BATCH = 4096
CTX = 50


def setup_inputs(seed: int = 0) -> dict:
    key = jax.random.key(seed)
    k1, k2, k3, k4 = jax.random.split(key, 4)
    inputs = jax.random.randint(k1, (BATCH, CTX), 0, VOCAB_SIZE, dtype=jnp.int64) if jax.config.jax_enable_x64 else jax.random.randint(k1, (BATCH, CTX), 0, VOCAB_SIZE, dtype=jnp.int32)
    embed_table = jax.random.normal(k2, (VOCAB_SIZE, EMBED_DIM), dtype=jnp.float32) * 0.02
    fc_w = jax.random.normal(k3, (N_CLASSES, EMBED_DIM), dtype=jnp.float32) * (1.0 / np.sqrt(EMBED_DIM))
    fc_b = jax.random.normal(k4, (N_CLASSES,), dtype=jnp.float32) * 0.01
    return {"inputs": inputs, "embed_table": embed_table, "fc_w": fc_w, "fc_b": fc_b}


def reference(inputs, embed_table, fc_w, fc_b):
    # nn.Embedding lookup -> gather rows
    embeds = jnp.take(embed_table, inputs, axis=0)  # [B, CTX, D]
    # sum over context dimension
    embeds_sum = jnp.sum(embeds, axis=1)  # [B, D]
    # nn.Linear: x @ W^T + b
    logits = embeds_sum @ fc_w.T + fc_b  # [B, n_classes]
    return logits

if __name__ == "__main__":
    import jax
    _d = setup_inputs()
    print(jax.jit(kernel)(*tuple(_d.values())))

</pallas_src>

<mosaic_0001>
#map = affine_map<(d0, d1) -> (0, 0, 0)>
#map1 = affine_map<(d0, d1) -> (0, 0)>
module attributes {stable_mosaic.version = 14 : i64} {
  func.func @gather_pool(%arg0: i32, %arg1: i32, %arg2: memref<32x50x128xi32, #tpu.memory_space<hbm>>, %arg3: memref<1015808x64xf32, #tpu.memory_space<hbm>>, %arg4: memref<4096x64xf32, #tpu.memory_space<hbm>>, %arg5: memref<50x128xi32, #tpu.memory_space<vmem>>, %arg6: memref<128x64xf32, #tpu.memory_space<vmem>>, %arg7: memref<!tpu.dma_semaphore, #tpu.memory_space<semaphore_mem>>) attributes {dimension_semantics = [#tpu.dimension_semantics<core_parallel>, #tpu.dimension_semantics<subcore_parallel>], iteration_bounds = array<i64: 2, 16>, scalar_prefetch = 0 : i64, scratch_operands = 3 : i64, tpu.core_type = #tpu.core_type<sc_vector_subcore>, window_params = [{transform_indices = #map}, {transform_indices = #map1}, {transform_indices = #map1}]} {
    %mul3A = arith.constant 2 : i32
    %mul3A_0 = arith.muli %arg1, %mul3A : i32
    %add3A = arith.addi %mul3A_0, %arg0 : i32
    %mul3A_1 = arith.constant 128 : i32
    %mul3A_2 = arith.muli %add3A, %mul3A_1 : i32
    "tpu.region"() ({
      %run_scoped3A = tpu.sem_alloc : memref<!tpu.dma_semaphore, #tpu.memory_space<semaphore_mem>>
      %dma_start3A_26 = arith.constant 0 : i32
      %dma_start3A_27 = arith.constant 0 : i32
      %dma_start3A_28 = tpu.memref_slice %arg2[%add3A, %dma_start3A_26, %dma_start3A_27] : memref<32x50x128xi32, #tpu.memory_space<hbm>> -> memref<1x50x128xi32, #tpu.memory_space<hbm>>
      %dma_start3A_29 = tpu.memref_squeeze %dma_start3A_28 : memref<1x50x128xi32, #tpu.memory_space<hbm>> -> memref<50x128xi32, #tpu.memory_space<hbm>>
      %dma_start3A_30 = arith.constant 0 : i32
      %dma_start3A_31 = arith.constant 0 : i32
      %dma_start3A_32 = tpu.memref_slice %arg2[%add3A, %dma_start3A_30, %dma_start3A_31] : memref<32x50x128xi32, #tpu.memory_space<hbm>> -> memref<1x50x128xi32, #tpu.memory_space<hbm>>
      %dma_start3A_33 = tpu.memref_squeeze %dma_start3A_32 : memref<1x50x128xi32, #tpu.memory_space<hbm>> -> memref<50x128xi32, #tpu.memory_space<hbm>>
      tpu.enqueue_dma source(%dma_start3A_33 : memref<50x128xi32, #tpu.memory_space<hbm>>) target(%arg5 : memref<50x128xi32, #tpu.memory_space<vmem>>) target_semaphore(%run_scoped3A : memref<!tpu.dma_semaphore, #tpu.memory_space<semaphore_mem>>)
      %dma_wait3A_34 = arith.constant 0 : i32
      %dma_wait3A_35 = arith.constant 0 : i32
      %dma_wait3A_36 = tpu.memref_slice %arg2[%add3A, %dma_wait3A_34, %dma_wait3A_35] : memref<32x50x128xi32, #tpu.memory_space<hbm>> -> memref<1x50x128xi32, #tpu.memory_space<hbm>>
      %dma_wait3A_37 = tpu.memref_squeeze %dma_wait3A_36 : memref<1x50x128xi32, #tpu.memory_space<hbm>> -> memref<50x128xi32, #tpu.memory_space<hbm>>
      %dma_wait3A_38 = arith.constant 0 : i32
      %dma_wait3A_39 = arith.constant 0 : i32
      %dma_wait3A_40 = tpu.memref_slice %arg2[%add3A, %dma_wait3A_38, %dma_wait3A_39] : memref<32x50x128xi32, #tpu.memory_space<hbm>> -> memref<1x50x128xi32, #tpu.memory_space<hbm>>
      %dma_wait3A_41 = tpu.memref_squeeze %dma_wait3A_40 : memref<1x50x128xi32, #tpu.memory_space<hbm>> -> memref<50x128xi32, #tpu.memory_space<hbm>>
      tpu.wait_dma2 semaphore(%run_scoped3A : memref<!tpu.dma_semaphore, #tpu.memory_space<semaphore_mem>>) src(%dma_wait3A_41 : memref<50x128xi32, #tpu.memory_space<hbm>>) dst(%arg5 : memref<50x128xi32, #tpu.memory_space<vmem>>)
      tpu.yield
    }) : () -> ()
    %dma_start3A = arith.constant 0 : i32
    %dma_start3A_3 = arith.constant 0 : i32
    %dma_start3A_4 = tpu.memref_slice %arg5[%dma_start3A, %dma_start3A_3] : memref<50x128xi32, #tpu.memory_space<vmem>> -> memref<1x128xi32, #tpu.memory_space<vmem>>
    %dma_start3A_5 = tpu.memref_squeeze %dma_start3A_4 : memref<1x128xi32, #tpu.memory_space<vmem>> -> memref<128xi32, #tpu.memory_space<vmem>>
    %dma_start3A_6 = arith.constant 0 : i32
    %dma_start3A_7 = arith.constant 0 : i32
    %dma_start3A_8 = tpu.memref_slice %arg3[%dma_start3A_6, %dma_start3A_7] : memref<1015808x64xf32, #tpu.memory_space<hbm>> -> memref<1015808x64xf32, #tpu.memory_space<hbm>>
    tpu.enqueue_indirect_dma source(%dma_start3A_8 : memref<1015808x64xf32, #tpu.memory_space<hbm>>) target(%arg6 : memref<128x64xf32, #tpu.memory_space<vmem>>) offsets(%dma_start3A_5 : memref<128xi32, #tpu.memory_space<vmem>>) semaphore(%arg7 : memref<!tpu.dma_semaphore, #tpu.memory_space<semaphore_mem>>)
    %dma_wait3A = arith.constant 0 : i32
    %dma_wait3A_9 = arith.constant 0 : i32
    %dma_wait3A_10 = tpu.memref_slice %arg5[%dma_wait3A, %dma_wait3A_9] : memref<50x128xi32, #tpu.memory_space<vmem>> -> memref<1x128xi32, #tpu.memory_space<vmem>>
    %dma_wait3A_11 = tpu.memref_squeeze %dma_wait3A_10 : memref<1x128xi32, #tpu.memory_space<vmem>> -> memref<128xi32, #tpu.memory_space<vmem>>
    %dma_wait3A_12 = arith.constant 0 : i32
    %dma_wait3A_13 = arith.constant 0 : i32
    %dma_wait3A_14 = tpu.memref_slice %arg3[%dma_wait3A_12, %dma_wait3A_13] : memref<1015808x64xf32, #tpu.memory_space<hbm>> -> memref<1015808x64xf32, #tpu.memory_space<hbm>>
    tpu.wait_indirect_dma semaphore(%arg7 : memref<!tpu.dma_semaphore, #tpu.memory_space<semaphore_mem>>) src(%dma_wait3A_14 : memref<1015808x64xf32, #tpu.memory_space<hbm>>) dst(%arg6 : memref<128x64xf32, #tpu.memory_space<vmem>>)
    %scan3A = arith.constant 0 : i32
    %scan3A_15 = arith.constant 1 : i32
    %scan3A_16 = arith.constant 49 : i32
    %scan3A_17 = arith.addi %scan3A_15, %scan3A_16 : i32
    %scan3A_18 = arith.constant 1 : i32
    scf.for %scan3A_26 = %scan3A_15 to %scan3A_17 step %scan3A_18  : i32 {
      %dma_start3A_27 = arith.constant 0 : i32
      %dma_start3A_28 = tpu.memref_slice %arg5[%scan3A_26, %dma_start3A_27] : memref<50x128xi32, #tpu.memory_space<vmem>> -> memref<1x128xi32, #tpu.memory_space<vmem>>
      %dma_start3A_29 = tpu.memref_squeeze %dma_start3A_28 : memref<1x128xi32, #tpu.memory_space<vmem>> -> memref<128xi32, #tpu.memory_space<vmem>>
      %dma_start3A_30 = arith.constant 0 : i32
      %dma_start3A_31 = arith.constant 0 : i32
      %dma_start3A_32 = tpu.memref_slice %arg3[%dma_start3A_30, %dma_start3A_31] : memref<1015808x64xf32, #tpu.memory_space<hbm>> -> memref<1015808x64xf32, #tpu.memory_space<hbm>>
      tpu.enqueue_indirect_dma source(%dma_start3A_32 : memref<1015808x64xf32, #tpu.memory_space<hbm>>) target(%arg6 : memref<128x64xf32, #tpu.memory_space<vmem>>) offsets(%dma_start3A_29 : memref<128xi32, #tpu.memory_space<vmem>>) semaphore(%arg7 : memref<!tpu.dma_semaphore, #tpu.memory_space<semaphore_mem>>) {add = true}
    }
    %scan3A_19 = arith.constant 49 : i32
    %scan3A_20 = arith.constant 0 : i32
    %scan3A_21 = arith.constant 1 : i32
    %scan3A_22 = arith.constant 49 : i32
    %scan3A_23 = arith.addi %scan3A_21, %scan3A_22 : i32
    %scan3A_24 = arith.constant 1 : i32
    scf.for %scan3A_26 = %scan3A_21 to %scan3A_23 step %scan3A_24  : i32 {
      %dma_wait3A_27 = arith.constant 0 : i32
      %dma_wait3A_28 = arith.constant 0 : i32
      %dma_wait3A_29 = tpu.memref_slice %arg5[%dma_wait3A_27, %dma_wait3A_28] : memref<50x128xi32, #tpu.memory_space<vmem>> -> memref<1x128xi32, #tpu.memory_space<vmem>>
      %dma_wait3A_30 = tpu.memref_squeeze %dma_wait3A_29 : memref<1x128xi32, #tpu.memory_space<vmem>> -> memref<128xi32, #tpu.memory_space<vmem>>
      %dma_wait3A_31 = arith.constant 0 : i32
      %dma_wait3A_32 = arith.constant 0 : i32
      %dma_wait3A_33 = tpu.memref_slice %arg3[%dma_wait3A_31, %dma_wait3A_32] : memref<1015808x64xf32, #tpu.memory_space<hbm>> -> memref<1015808x64xf32, #tpu.memory_space<hbm>>
      tpu.wait_indirect_dma semaphore(%arg7 : memref<!tpu.dma_semaphore, #tpu.memory_space<semaphore_mem>>) src(%dma_wait3A_33 : memref<1015808x64xf32, #tpu.memory_space<hbm>>) dst(%arg6 : memref<128x64xf32, #tpu.memory_space<vmem>>)
    }
    %scan3A_25 = arith.constant 49 : i32
    "tpu.region"() ({
      %run_scoped3A = tpu.sem_alloc : memref<!tpu.dma_semaphore, #tpu.memory_space<semaphore_mem>>
      %dma_start3A_26 = arith.constant 0 : i32
      %dma_start3A_27 = tpu.memref_slice %arg4[%mul3A_2, %dma_start3A_26] : memref<4096x64xf32, #tpu.memory_space<hbm>> -> memref<128x64xf32, #tpu.memory_space<hbm>>
      %dma_start3A_28 = arith.constant 0 : i32
      %dma_start3A_29 = tpu.memref_slice %arg4[%mul3A_2, %dma_start3A_28] : memref<4096x64xf32, #tpu.memory_space<hbm>> -> memref<128x64xf32, #tpu.memory_space<hbm>>
      tpu.enqueue_dma source(%arg6 : memref<128x64xf32, #tpu.memory_space<vmem>>) target(%dma_start3A_29 : memref<128x64xf32, #tpu.memory_space<hbm>>) target_semaphore(%run_scoped3A : memref<!tpu.dma_semaphore, #tpu.memory_space<semaphore_mem>>)
      %dma_wait3A_30 = arith.constant 0 : i32
      %dma_wait3A_31 = tpu.memref_slice %arg4[%mul3A_2, %dma_wait3A_30] : memref<4096x64xf32, #tpu.memory_space<hbm>> -> memref<128x64xf32, #tpu.memory_space<hbm>>
      %dma_wait3A_32 = arith.constant 0 : i32
      %dma_wait3A_33 = tpu.memref_slice %arg4[%mul3A_2, %dma_wait3A_32] : memref<4096x64xf32, #tpu.memory_space<hbm>> -> memref<128x64xf32, #tpu.memory_space<hbm>>
      tpu.wait_dma2 semaphore(%run_scoped3A : memref<!tpu.dma_semaphore, #tpu.memory_space<semaphore_mem>>) src(%arg6 : memref<128x64xf32, #tpu.memory_space<vmem>>) dst(%dma_wait3A_33 : memref<128x64xf32, #tpu.memory_space<hbm>>)
      tpu.yield
    }) : () -> ()
    return
  }
}

module attributes {stable_mosaic.version = 14 : i64} {
  func.func @_tr_body(%arg0: i32, %arg1: memref<64x32768xf32, #tpu.memory_space<vmem>>, %arg2: memref<16384x128xf32, #tpu.memory_space<vmem>>) attributes {dimension_semantics = [#tpu.dimension_semantics<arbitrary>], iteration_bounds = array<i64: 31>, scalar_prefetch = 0 : i64, scratch_operands = 0 : i64, tpu.core_type = #tpu.core_type<tc>, window_params = [{transform_indices = @transform_0, window_bounds = array<i64: 64, 32768>}, {transform_indices = @transform_1, window_bounds = array<i64: 16384, 128>}]} {
    %get3A = arith.constant 0 : index
    %get3A_0 = arith.constant 0 : index
    %get3A_1 = vector.load %arg1[%get3A, %get3A_0] : memref<64x32768xf32, #tpu.memory_space<vmem>>, vector<64x32768xf32>
    %slice3A = vector.extract_strided_slice %get3A_1 {offsets = [0, 0], sizes = [64, 16384], strides = [1, 1]} : vector<64x32768xf32> to vector<64x16384xf32>
    %slice3A_2 = vector.extract_strided_slice %get3A_1 {offsets = [0, 16384], sizes = [64, 16384], strides = [1, 1]} : vector<64x32768xf32> to vector<64x16384xf32>
    %concatenate3A = tpu.concatenate %slice3A, %slice3A_2 in 0 : vector<64x16384xf32>, vector<64x16384xf32> -> vector<128x16384xf32>
    %transpose3A = tpu.transpose %concatenate3A, [1, 0] : vector<128x16384xf32> -> vector<16384x128xf32>
    %swap3A = arith.constant 0 : index
    %swap3A_3 = arith.constant 0 : index
    %swap3A_4 = vector.load %arg2[%swap3A, %swap3A_3] : memref<16384x128xf32, #tpu.memory_space<vmem>>, vector<16384x128xf32>
    tpu.vector_store %arg2[%swap3A, %swap3A_3], %transpose3A {strides = array<i32>} : memref<16384x128xf32, #tpu.memory_space<vmem>>, vector<16384x128xf32>,
    return
  }
  func.func @transform_0(%arg0: i32) -> (i32, i32) {
    %c0_i32 = arith.constant 0 : i32
    %c0_i32_0 = arith.constant 0 : i32
    return %c0_i32, %arg0 : i32, i32
  }
  func.func @transform_1(%arg0: i32) -> (i32, i32) {
    %c0_i32 = arith.constant 0 : i32
    %c0_i32_0 = arith.constant 0 : i32
    return %arg0, %c0_i32 : i32, i32
  }
}

module attributes {stable_mosaic.version = 14 : i64} {
  func.func @_linear_body(%arg0: i32, %arg1: memref<1000x64xf32, #tpu.memory_space<vmem>>, %arg2: memref<512x64xf32, #tpu.memory_space<vmem>>, %arg3: memref<1000x1xf32, #tpu.memory_space<vmem>>, %arg4: memref<1000x512xf32, #tpu.memory_space<vmem>>) attributes {dimension_semantics = [#tpu.dimension_semantics<arbitrary>], iteration_bounds = array<i64: 8>, scalar_prefetch = 0 : i64, scratch_operands = 0 : i64, tpu.core_type = #tpu.core_type<tc>, window_params = [{pipeline_mode = #tpu.pipeline_mode<synchronous>, transform_indices = @transform_0, window_bounds = array<i64: 1000, 64>}, {transform_indices = @transform_1, window_bounds = array<i64: 512, 64>}, {pipeline_mode = #tpu.pipeline_mode<synchronous>, transform_indices = @transform_2, window_bounds = array<i64: 1000, 1>}, {transform_indices = @transform_3, window_bounds = array<i64: 1000, 512>}]} {
    %get3A = arith.constant 0 : index
    %get3A_0 = arith.constant 0 : index
    %get3A_1 = vector.load %arg1[%get3A, %get3A_0] : memref<1000x64xf32, #tpu.memory_space<vmem>>, vector<1000x64xf32>
    %get3A_2 = arith.constant 0 : index
    %get3A_3 = arith.constant 0 : index
    %get3A_4 = vector.load %arg2[%get3A_2, %get3A_3] : memref<512x64xf32, #tpu.memory_space<vmem>>, vector<512x64xf32>
    %dot_general3A = arith.constant dense<0.000000e+00> : vector<1000x512xf32>
    %dot_general3A_5 = tpu.matmul %get3A_1, %get3A_4, %dot_general3A {dimension_numbers = #tpu.dot_dimension_numbers<[1], [1], [0], [0], [0, 0, 1, 0], [], []>, transpose_lhs_hint = false} : vector<1000x64xf32>, vector<512x64xf32>, vector<1000x512xf32> -> vector<1000x512xf32>
    %get3A_6 = arith.constant 0 : index
    %get3A_7 = arith.constant 0 : index
    %get3A_8 = vector.load %arg3[%get3A_6, %get3A_7] : memref<1000x1xf32, #tpu.memory_space<vmem>>, vector<1000x1xf32>
    %add3A = vector.broadcast %get3A_8 : vector<1000x1xf32> to vector<1000x512xf32>
    %add3A_9 = arith.addf %dot_general3A_5, %add3A : vector<1000x512xf32>
    %swap3A = arith.constant 0 : index
    %swap3A_10 = arith.constant 0 : index
    %swap3A_11 = vector.load %arg4[%swap3A, %swap3A_10] : memref<1000x512xf32, #tpu.memory_space<vmem>>, vector<1000x512xf32>
    tpu.vector_store %arg4[%swap3A, %swap3A_10], %add3A_9 {strides = array<i32>} : memref<1000x512xf32, #tpu.memory_space<vmem>>, vector<1000x512xf32>,
    return
  }
  func.func @transform_0(%arg0: i32) -> (i32, i32) {
    %c0_i32 = arith.constant 0 : i32
    %c0_i32_0 = arith.constant 0 : i32
    %c0_i32_1 = arith.constant 0 : i32
    return %c0_i32, %c0_i32_0 : i32, i32
  }
  func.func @transform_1(%arg0: i32) -> (i32, i32) {
    %c0_i32 = arith.constant 0 : i32
    %c0_i32_0 = arith.constant 0 : i32
    return %arg0, %c0_i32 : i32, i32
  }
  func.func @transform_2(%arg0: i32) -> (i32, i32) {
    %c0_i32 = arith.constant 0 : i32
    %c0_i32_0 = arith.constant 0 : i32
    %c0_i32_1 = arith.constant 0 : i32
    return %c0_i32, %c0_i32_0 : i32, i32
  }
  func.func @transform_3(%arg0: i32) -> (i32, i32) {
    %c0_i32 = arith.constant 0 : i32
    %c0_i32_0 = arith.constant 0 : i32
    return %c0_i32, %arg0 : i32, i32
  }
}

</mosaic_0001>

<sc_bundles>
// kernel: kernel.5.cloned.1.call-start
scs
__scs_entry_jumppad:
0x0: {  	(pc) =	sbr.rel $0x88, $3  }
0x1: {  	(tag) =	ssettag $0x0;
	lr =	simm.s32 $0x1  }
0x2: {  	[smem:$0x3F9D] =	sst lr;
	_ =	strace $0xD0000000  }
0x3: {  	_ = 	snop  }
0x4: {  	_ = 	snop  }
0x5: {  	_ = 	snop  }
0x6: {  	_ = 	snop  }
0x7: {  	_ = 	snop  }
__scs_overlays_trampoline_lowered:
0x8: {  	[smem:$0x3FAC] =	sst s0  }
0x9: {  	[smem:$0x3FAD] =	sst s1  }
0xa: {  	[smem:$0x3FAE] =	sst s2  }
0xb: {  	[smem:$0x3FAF] =	sst s3  }
0xc: {  	[smem:$0x3FB0] =	sst s4  }
0xd: {  	[smem:$0x3FB1] =	sst s5  }
0xe: {  	[smem:$0x3FB2] =	sst s6  }
0xf: {  	[smem:$0x3FB3] =	sst s7  }
0x10: {  	[smem:$0x3FB4] =	sst s8  }
0x11: {  	[smem:$0x3FB5] =	sst s9;
	s0 =	simm.s32 @!p0 $0x0  }
0x12: {  	s1 =	sld [smem:$0x3F9B];
	s0 =	simm.s32 @p0 $0x1  }
0x13: {  	[smem:$0x3FB6] =	sst s0;
	s0 =	simm.s32 @!p1 $0x0  }
0x14: {  	s2 =	sld [smem:$0x3F9A];
	s0 =	simm.s32 @p1 $0x1  }
0x15: {  	[smem:$0x3FB7] =	sst s0;
	s0 =	simm.s32 @!p2 $0x0  }
0x16: {  	s3 =	sld [smem:$0x3FDB];
	s0 =	simm.s32 @p2 $0x1  }
0x17: {  	s4 =	simm.s32 $0x1BF5;
	[smem:$0x3FB9] =	sst s0  }
0x18: {  	s0 =	sld [smem:$0x3F9C];
	_ =	swait.ge [sflag:s4], $0x0  }
0x19: {  	s7 =	sld [smem:$0x3F9D]  }
0x1a: {  	s8 =	sadd.s32 $0xFFFFE003, lr  }
0x1b: {  	s9 =	sadd.s32 $0xFFFFFEF7, lr;
	s5 =	simm.s32 $0xFFFFFFFF;
	p2 =	slt.u32 s8, $0xFFFFF086  }
0x1c: {  	p1 =	slt.u32 s9, $0xF7A;
	s5 =	simm.s32 @!p2 $0x0  }
0x1d: {  	s5 =	simm.s32 @p1 $0x1;
	p0 =	seq.s32 s7, s2  }
0x1e: {  	s7 =	smul.u32 @!p0 $0xF7A, s2;
	p2 =	seq.s32 @!p0 s5, $0x0  }
0x1f: {  	s9 =	smul.u32 $0xF7A, s1;
	s8 =	simm.s32 @!p0 $0x1BF5;
	p2 =	por !p2, p0  }
0x20: {  	[sflag:s8] =	ssyncset.s32 @!p0 $0xFFFFF086;
	s6 =	sadd.s32 @!p0 s3, s7;
	s7 =	simm.s32 @!p0 $0x108  }
0x21: {  	s3 =	sadd.s32 s3, s9;
	s6 =	sadd.s32 @!p0 $0x88, s6;
	s7 =	simm.s32 @p2 $0x1082  }
0x22: {  	[simem:s7], [sflag:s8] =	dma.local @!p0 [hbm:s6], $0xF7A  }
0x23: {  	s9 =	sor.u32 $0xD0000000, s2;
	s6 =	simm.s32 $0x108;
	_ =	swait.ge @!p0 [sflag:s8], $0x0  }
0x24: {  	s3 =	sadd.s32 $0x88, s3;
	s6 =	simm.s32 @!p1 $0x1082;
	[sflag:s4] =	ssyncset.s32 $0xFFFFF086  }
0x25: {  	[simem:s6], [sflag:s4] =	dma.local [hbm:s3], $0xF7A  }
0x26: {  	[smem:$0x3F9D] =	sst s1;
	(tag) =	ssettag s2;
	_ =	strace s9  }
0x27: {  	s1 =	sld [smem:$0x3FAD]  }
0x28: {  	s2 =	sld [smem:$0x3FAE]  }
0x29: {  	s4 =	sld [smem:$0x3FB0]  }
0x2a: {  	p0 =	seq.s32 s5, $0x0;
	s5 =	sld [smem:$0x3FB1]  }
0x2b: {  	s6 =	sld [smem:$0x3FB2]  }
0x2c: {  	s7 =	sld [smem:$0x3FB3]  }
0x2d: {  	s3 =	simm.s32 $0x108;
	s8 =	sld [smem:$0x3FB4]  }
0x2e: {  	s3 =	simm.s32 @!p0 $0x1082;
	s9 =	sld [smem:$0x3FB5]  }
0x2f: {  	lr =	sadd.s32 s0, s3;
	s0 =	sld [smem:$0x3FAC]  }
0x30: {  	s3 =	sld [smem:$0x3FAF]  }
0x31: {  	[smem:$0x3FB8] =	sst s10  }
0x32: {  	s10 =	sld [smem:$0x3FB6];
	_ =	sdelay $0x3  }
0x33: {  	p0 =	seq.s32 s10, $0x1;
	s10 =	sld [smem:$0x3FB8];
	_ =	sdelay $0x3  }
0x34: {  	[smem:$0x3FB8] =	sst s10  }
0x35: {  	s10 =	sld [smem:$0x3FB7];
	_ =	sdelay $0x3  }
0x36: {  	p1 =	seq.s32 s10, $0x1;
	s10 =	sld [smem:$0x3FB8];
	_ =	sdelay $0x3  }
0x37: {  	[smem:$0x3FB8] =	sst s10  }
0x38: {  	s10 =	sld [smem:$0x3FB9]  }
0x39: {  	_ = 	snop;
	(pc) =	sbr.ind lr, $3  }
0x3a: {  	_ = 	snop  }
0x3b: {  	_ = 	snop  }
0x3c: {  	p2 =	seq.s32 s10, $0x1;
	s10 =	sld [smem:$0x3FB8]  }
0x3d: {  	_ =	shalt  }
0x3e: {  	_ =	shalt  }
0x3f: {  	_ =	shalt  }
0x40: {  	_ =	shalt  }
0x41: {  	_ =	shalt  }
0x42: {  	_ =	shalt  }
0x43: {  	_ =	shalt  }
0x44: {  	_ =	shalt  }
0x45: {  	_ =	shalt  }
0x46: {  	_ =	shalt  }
0x47: {  	_ =	shalt  }
0x48: {  	_ =	shalt  }
0x49: {  	_ =	shalt  }
0x4a: {  	_ =	shalt  }
0x4b: {  	_ =	shalt  }
0x4c: {  	_ =	shalt  }
0x4d: {  	_ =	shalt  }
0x4e: {  	_ =	shalt  }
0x4f: {  	_ =	shalt  }
0x50: {  	_ =	shalt  }
0x51: {  	_ =	shalt  }
0x52: {  	_ =	shalt  }
0x53: {  	_ =	shalt  }
0x54: {  	_ =	shalt  }
0x55: {  	_ =	shalt  }
0x56: {  	_ =	shalt  }
0x57: {  	_ =	shalt  }
0x58: {  	_ =	shalt  }
0x59: {  	_ =	shalt  }
0x5a: {  	_ =	shalt  }
0x5b: {  	_ =	shalt  }
0x5c: {  	_ =	shalt  }
0x5d: {  	_ =	shalt  }
0x5e: {  	_ =	shalt  }
0x5f: {  	_ =	shalt  }
0x60: {  	_ =	shalt  }
0x61: {  	_ =	shalt  }
0x62: {  	_ =	shalt  }
0x63: {  	_ =	shalt  }
0x64: {  	_ =	shalt  }
0x65: {  	_ =	shalt  }
0x66: {  	_ =	shalt  }
0x67: {  	_ =	shalt  }
0x68: {  	_ =	shalt  }
0x69: {  	_ =	shalt  }
0x6a: {  	_ =	shalt  }
0x6b: {  	_ =	shalt  }
0x6c: {  	_ =	shalt  }
0x6d: {  	_ =	shalt  }
0x6e: {  	_ =	shalt  }
0x6f: {  	_ =	shalt  }
0x70: {  	_ =	shalt  }
0x71: {  	_ =	shalt  }
0x72: {  	_ =	shalt  }
0x73: {  	_ =	shalt  }
0x74: {  	_ =	shalt  }
0x75: {  	_ =	shalt  }
0x76: {  	_ =	shalt  }
0x77: {  	_ =	shalt  }
0x78: {  	_ =	shalt  }
0x79: {  	_ =	shalt  }
0x7a: {  	_ =	shalt  }
0x7b: {  	_ =	shalt  }
0x7c: {  	_ =	shalt  }
0x7d: {  	_ =	shalt  }
0x7e: {  	_ =	shalt  }
0x7f: {  	_ =	shalt  }
0x80: {  	_ =	shalt  }
0x81: {  	_ =	shalt  }
0x82: {  	_ =	shalt  }
0x83: {  	_ =	shalt  }
0x84: {  	_ =	shalt  }
0x85: {  	_ =	shalt  }
0x86: {  	_ =	shalt  }
0x87: {  	_ =	shalt  }
.Lfunc_end0:
.L_simem_size_0:
called_computation_lowered:
.L_overlay_start_0:
0x88: {  	s2 =	sld [smem:$0x3FD9]  }
0x89: {  	s3 =	sld [smem:$0x3FFE];
	_ =	sdelay $0x1  }
0x8a: {  	s1 =	srdreg.scid  }
0x8b: {  	s0 =	sand.u32 $0x1, s1  }
0x8c: {  	s17 =	sshll.u32 s0, $0xA;
	s2 =	sadd.s32 s3, s2  }
0x8d: {  	s2 =	sadd.s32 s2, s17  }
0x8e: {  	[smem:$0x3FC4] =	sst s2  }
0x8f: {  	_ = 	snop  }
0x90: {  	s2 =	sld [smem:$0x3FD0];
	(tm) =	ssettm $0x1  }
0x91: {  	s18 =	sld [smem:$0x3FFB];
	_ =	sdelay $0x3  }
0x92: {  	_ =	strace s18  }
0x93: {  	s3 =	sld [smem:$0x3FFC];
	_ =	sdelay $0x3  }
0x94: {  	_ =	strace s3  }
0x95: {  	s3 =	sld [smem:$0x3FFD];
	_ =	sdelay $0x3  }
0x96: {  	_ =	strace s3  }
0x97: {  	_ =	strace $0x8FFFFFFF  }
0x98: {  	s19 =	sld [smem:$0x3FDB];
	_ =	sdelay $0x1  }
0x99: {  	s4 =	simm.s32 $_scs_section_size  }
0x9a: {  	s5 =	simm.s32 $_size__tile_overlayer_lowered;
	s6 =	simm.s32 $_tile_overlayer_lowered  }
0x9b: {  	s22 =	simm.s32 $0x1BFF;
	s21 =	sshll.u32 s6, $0x1;
	s3 =	sadd.s32 s4, s19  }
0x9c: {  	s7 =	simm.s32 $0x0;
	s20 =	sshll.u32 s5, $0x1;
	s5 =	sadd.s32 s21, s3  }
0x9d: {  	[timem:s7], [sflag:s22] =	dma.local [hbm:s5], s20  }
0x9e: {  	_ =	swait.ge [sflag:s22], s20  }
0x9f: {  	s4 =	ssub.s32 $0x0, s20;
	[sflag:s22] =	ssyncset.done $0x0  }
0xa0: {  	[sflag:s22] =	ssyncadd.s32 s4;
	_ =	sdelay $0x1  }
0xa1: {  	s23 =	simm.s32 $0x1B8B  }
0xa2: {  	_ =	swait.ge [sflag:s23], $0x1  }
0xa3: {  	[sflag:s23] =	ssyncset.done $0x0  }
0xa4: {  	s25 =	simm.s32 $0x1B8E;
	s24 =	sld [smem:$0x3FFE];
	[sflag:s23] =	ssyncadd.s32 $0xFFFFFFFF  }
0xa5: {  	s26 =	simm.s32 $execute0_lowered;
	[smem:$0x3FD2] =	sst s25  }
0xa6: {  	s5 =	sshll.u32 s26, $0x1;
	_ =	strace $0x80000046;
	[dreg:$0x1] =	wrdreg $0xFFFFFFFF  }
0xa7: {  	s28 =	simm.s32 $_size_execute0_lowered;
	s3 =	sadd.s32 s3, s5;
	[dreg:$0x0] =	wrdreg $0x0  }
0xa8: {  	s5 =	sshll.u32 s28, $0x1;
	[dreg:$0x2] =	wrdreg s3  }
0xa9: {  	[dreg:$0x3] =	wrdreg s5  }
0xaa: {  	[dreg:$0x4] =	wrdreg $0xC0  }
0xab: {  	_ =	task [dreg:s7], $0x5FFFF  }
0xac: {  	[dreg:$0x1] =	wrdreg $0xFFFFFFFF  }
0xad: {  	[dreg:$0x0] =	wrdreg $0x60  }
0xae: {  	[dreg:$0x2] =	wrdreg s24  }
0xaf: {  	[dreg:$0x3] =	wrdreg s2  }
0xb0: {  	[dreg:$0x4] =	wrdreg $0x9  }
0xb1: {  	_ =	task.clear_ibuf [dreg:s7], $0x5FFFF;
	_ =	strace $0x90000046  }
0xb2: {  	s29 =	simm.s32 $0x9;
	_ =	strace $0x80000048  }
0xb3: {  	_ =	swait.ge [sflag:s29], $0x1  }
0xb4: {  	[sflag:s29] =	ssyncadd.s32 $0xFFFFFFFF  }
0xb5: {  	_ =	strace $0x90000048  }
0xb6: {  	_ =	sfence  }
0xb7: {  	s30 =	sld [smem:$0x0];
	_ =	sdelay $0x2  }
0xb8: {  	s31 =	sshll.u32 s1, $0xD;
	s1 =	sshrl.u32 s1, $0x2  }
0xb9: {  	s3 =	sand.u32 $0x4000, s31;
	s1 =	sadd.s32 s1, s30  }
0xba: {  	s0 =	sor.u32 s3, s0;
	s1 =	sshll.u32 s1, $0x11  }
0xbb: {  	s0 =	sor.u32 s1, s0  }
0xbc: {  	s0 =	sadd.s32 $0x8F2B, s0  }
0xbd: {  	[sflag:s0] =	ssyncadd.remote.s32 $0x1  }
0xbe: {  	_ =	sfence.sel $0xFFFF  }
0xbf: {  	[dreg:$0x0] =	wrdreg $0xFFFFFFFF;
	(pc) =	sbr.abs _section_cstart, $3  }
0xc0: {  	[dreg:$0x1] =	wrdreg $0xFFFFFFFF  }
0xc1: {  	_ =	task.clear_ibuf [dreg:s7], $0x2FFFF;
	_ =	strace $0x9FFFFFFF  }
0xc2: {  	(tm) =	ssettm $0x7FFFFFFF  }
0xc3: {  	_ =	shalt  }
tec
execute0_lowered:
.L_overlay_start_1:
0x0: {  	(tag) =	ssettag $0x1  }
0x1: {  	s0 =	srdreg.scid  }
0x2: {  	s2 =	stileid.u32;
	s1 =	rddreg [dreg:$0x0]  }
0x3: {  	s5 =	rddreg [dreg:$0x1];
	s8 =	simm.s32 $0x80;
	s9 =	simm.s32 $0x1900  }
0x4: {  	s10 =	simm.s32 $0x1;
	s17 =	simm.s32 $0xF00;
	s18 =	simm.s32 $0xF80  }
0x5: {  	s19 =	simm.s32 $0x1000;
	s20 =	simm.s32 $0x1080;
	s21 =	simm.s32 $0x1100  }
0x6: {  	s22 =	simm.s32 $0x1180;
	s23 =	simm.s32 $0x1200;
	s24 =	simm.s32 $0x1280  }
0x7: {  	s25 =	simm.s32 $0x1300;
	s28 =	simm.s32 $0x1400;
	s29 =	simm.s32 $0x1480  }
0x8: {  	s30 =	simm.s32 $0x1500;
	s31 =	simm.s32 $0x1580;
	s11 =	simm.s32 $0x1700  }
0x9: {  	s12 =	simm.s32 $0x1780;
	s13 =	simm.s32 $0x1800;
	s14 =	simm.s32 $0x1880  }
0xa: {  	s15 =	simm.s32 $0x0;
	s0 =	sand.u32 $0x1, s0;
	s2 =	sshll.u32 s2, $0x1  }
0xb: {  	s4 =	sor.u32 s0, s2;
	s2 =	simm.s32 $0x0;
	s0 =	ssub.s32 $0x2, s0  }
0xc: {  	s3 =	smul.u32 $0x320, s4;
	[smem:$0x7FF] =	sst s2;
	s26 =	sshrl.u32 s0, $0x1  }
0xd: {  	s7 =	sshll.u32 s4, $0xA;
	_ =	strace $0x80000047;
	s0 =	ssub.s32 s0, s26  }
0xe: {  	s5 =	sadd.s32 s5, s7;
	s7 =	simm.s32 $0x2;
	s26 =	simm.s32 $0x1380  }
0xf: {  	s6 =	sadd.s32 s3, s1;
	s3 =	sadd.s32 $0xA00, s1;
	s1 =	simm.s32 $0x1600  }
0x10: {  	s4 =	sadd.s32 $0x7C0A00, s6;
	s6 =	smax.u32 s0, $0x1;
	s0 =	simm.s32 $0x1680  }
.LBB2_1:
0x11: {  	[tilespmem:s2], [sflag:$0x2] =	stream.linear.gather [hbm4b:s4+s2], $0x1900, $0x38;
	[tilespmem:$0x3900] =	vst v63  }
0x12: {  	_ =	swait.ge [sflag:s7], $0x1900  }
0x13: {  	[sflag:s7] =	ssyncset.done $0x0  }
0x14: {  	[sflag:s7] =	ssyncadd.s32 $0xFFFFE700  }
0x15: {  	[tilespmem:s9], [sflag:$0x1] =	stream.indirect.gather [hbm4b:s3+s8], $0x40, s2, s8, $0xb8;
	[tilespmem:$0x3900] =	vst v63  }
0x16: {  	_ =	swait.ge [sflag:s10], $0x2000  }
0x17: {  	[sflag:s10] =	ssyncset.done $0x0  }
0x18: {  	[sflag:s10] =	ssyncadd.s32 $0xFFFFE000  }
0x19: {  	[tilespmem:s9], [sflag:$0x1] =	stream.indirect.gather.add.f32 [hbm:s3], $0x40, s8, s8, $0xb8;
	[tilespmem:$0x3900] =	vst v63  }
0x1a: {  	s16 =	simm.s32 $0x100  }
0x1b: {  	[tilespmem:s9], [sflag:$0x1] =	stream.indirect.gather.add.f32 [hbm:s3], $0x40, s16, s8, $0xb8;
	[tilespmem:$0x3900] =	vst v63  }
0x1c: {  	s16 =	simm.s32 $0x180  }
0x1d: {  	[tilespmem:s9], [sflag:$0x1] =	stream.indirect.gather.add.f32 [hbm:s3], $0x40, s16, s8, $0xb8;
	[tilespmem:$0x3900] =	vst v63  }
0x1e: {  	s16 =	simm.s32 $0x200  }
0x1f: {  	[tilespmem:s9], [sflag:$0x1] =	stream.indirect.gather.add.f32 [hbm:s3], $0x40, s16, s8, $0xb8;
	[tilespmem:$0x3900] =	vst v63  }
0x20: {  	s16 =	simm.s32 $0x280  }
0x21: {  	[tilespmem:s9], [sflag:$0x1] =	stream.indirect.gather.add.f32 [hbm:s3], $0x40, s16, s8, $0xb8;
	[tilespmem:$0x3900] =	vst v63  }
0x22: {  	s16 =	simm.s32 $0x300  }
0x23: {  	[tilespmem:s9], [sflag:$0x1] =	stream.indirect.gather.add.f32 [hbm:s3], $0x40, s16, s8, $0xb8;
	[tilespmem:$0x3900] =	vst v63  }
0x24: {  	s16 =	simm.s32 $0x380  }
0x25: {  	[tilespmem:s9], [sflag:$0x1] =	stream.indirect.gather.add.f32 [hbm:s3], $0x40, s16, s8, $0xb8;
	[tilespmem:$0x3900] =	vst v63  }
0x26: {  	s16 =	simm.s32 $0x400  }
0x27: {  	[tilespmem:s9], [sflag:$0x1] =	stream.indirect.gather.add.f32 [hbm:s3], $0x40, s16, s8, $0xb8;
	[tilespmem:$0x3900] =	vst v63  }
0x28: {  	s16 =	simm.s32 $0x480  }
0x29: {  	[tilespmem:s9], [sflag:$0x1] =	stream.indirect.gather.add.f32 [hbm:s3], $0x40, s16, s8, $0xb8;
	[tilespmem:$0x3900] =	vst v63  }
0x2a: {  	s16 =	simm.s32 $0x500  }
0x2b: {  	[tilespmem:s9], [sflag:$0x1] =	stream.indirect.gather.add.f32 [hbm:s3], $0x40, s16, s8, $0xb8;
	[tilespmem:$0x3900] =	vst v63  }
0x2c: {  	s16 =	simm.s32 $0x580  }
0x2d: {  	[tilespmem:s9], [sflag:$0x1] =	stream.indirect.gather.add.f32 [hbm:s3], $0x40, s16, s8, $0xb8;
	[tilespmem:$0x3900] =	vst v63  }
0x2e: {  	s16 =	simm.s32 $0x600  }
0x2f: {  	[tilespmem:s9], [sflag:$0x1] =	stream.indirect.gather.add.f32 [hbm:s3], $0x40, s16, s8, $0xb8;
	[tilespmem:$0x3900] =	vst v63  }
0x30: {  	s16 =	simm.s32 $0x680  }
0x31: {  	[tilespmem:s9], [sflag:$0x1] =	stream.indirect.gather.add.f32 [hbm:s3], $0x40, s16, s8, $0xb8;
	[tilespmem:$0x3900] =	vst v63  }
0x32: {  	s16 =	simm.s32 $0x700  }
0x33: {  	[tilespmem:s9], [sflag:$0x1] =	stream.indirect.gather.add.f32 [hbm:s3], $0x40, s16, s8, $0xb8;
	[tilespmem:$0x3900] =	vst v63  }
0x34: {  	s16 =	simm.s32 $0x780  }
0x35: {  	[tilespmem:s9], [sflag:$0x1] =	stream.indirect.gather.add.f32 [hbm:s3], $0x40, s16, s8, $0xb8;
	[tilespmem:$0x3900] =	vst v63  }
0x36: {  	s16 =	simm.s32 $0x800  }
0x37: {  	[tilespmem:s9], [sflag:$0x1] =	stream.indirect.gather.add.f32 [hbm:s3], $0x40, s16, s8, $0xb8;
	[tilespmem:$0x3900] =	vst v63  }
0x38: {  	s16 =	simm.s32 $0x880  }
0x39: {  	[tilespmem:s9], [sflag:$0x1] =	stream.indirect.gather.add.f32 [hbm:s3], $0x40, s16, s8, $0xb8;
	[tilespmem:$0x3900] =	vst v63  }
0x3a: {  	s16 =	simm.s32 $0x900  }
0x3b: {  	[tilespmem:s9], [sflag:$0x1] =	stream.indirect.gather.add.f32 [hbm:s3], $0x40, s16, s8, $0xb8;
	[tilespmem:$0x3900] =	vst v63  }
0x3c: {  	s16 =	simm.s32 $0x980  }
0x3d: {  	[tilespmem:s9], [sflag:$0x1] =	stream.indirect.gather.add.f32 [hbm:s3], $0x40, s16, s8, $0xb8;
	[tilespmem:$0x3900] =	vst v63  }
0x3e: {  	s16 =	simm.s32 $0xA00  }
0x3f: {  	[tilespmem:s9], [sflag:$0x1] =	stream.indirect.gather.add.f32 [hbm:s3], $0x40, s16, s8, $0xb8;
	[tilespmem:$0x3900] =	vst v63  }
0x40: {  	s16 =	simm.s32 $0xA80  }
0x41: {  	[tilespmem:s9], [sflag:$0x1] =	stream.indirect.gather.add.f32 [hbm:s3], $0x40, s16, s8, $0xb8;
	[tilespmem:$0x3900] =	vst v63  }
0x42: {  	s16 =	simm.s32 $0xB00  }
0x43: {  	[tilespmem:s9], [sflag:$0x1] =	stream.indirect.gather.add.f32 [hbm:s3], $0x40, s16, s8, $0xb8;
	[tilespmem:$0x3900] =	vst v63  }
0x44: {  	s16 =	simm.s32 $0xB80  }
0x45: {  	[tilespmem:s9], [sflag:$0x1] =	stream.indirect.gather.add.f32 [hbm:s3], $0x40, s16, s8, $0xb8;
	[tilespmem:$0x3900] =	vst v63  }
0x46: {  	s16 =	simm.s32 $0xC00  }
0x47: {  	[tilespmem:s9], [sflag:$0x1] =	stream.indirect.gather.add.f32 [hbm:s3], $0x40, s16, s8, $0xb8;
	[tilespmem:$0x3900] =	vst v63  }
0x48: {  	s16 =	simm.s32 $0xC80  }
0x49: {  	[tilespmem:s9], [sflag:$0x1] =	stream.indirect.gather.add.f32 [hbm:s3], $0x40, s16, s8, $0xb8;
	[tilespmem:$0x3900] =	vst v63  }
0x4a: {  	s16 =	simm.s32 $0xD00  }
0x4b: {  	[tilespmem:s9], [sflag:$0x1] =	stream.indirect.gather.add.f32 [hbm:s3], $0x40, s16, s8, $0xb8;
	[tilespmem:$0x3900] =	vst v63  }
0x4c: {  	s16 =	simm.s32 $0xD80  }
0x4d: {  	[tilespmem:s9], [sflag:$0x1] =	stream.indirect.gather.add.f32 [hbm:s3], $0x40, s16, s8, $0xb8;
	[tilespmem:$0x3900] =	vst v63  }
0x4e: {  	s16 =	simm.s32 $0xE00  }
0x4f: {  	[tilespmem:s9], [sflag:$0x1] =	stream.indirect.gather.add.f32 [hbm:s3], $0x40, s16, s8, $0xb8;
	[tilespmem:$0x3900] =	vst v63  }
0x50: {  	s16 =	simm.s32 $0xE80  }
0x51: {  	[tilespmem:s9], [sflag:$0x1] =	stream.indirect.gather.add.f32 [hbm:s3], $0x40, s16, s8, $0xb8;
	[tilespmem:$0x3900] =	vst v63  }
0x52: {  	_ = 	snop  }
0x53: {  	[tilespmem:s9], [sflag:$0x1] =	stream.indirect.gather.add.f32 [hbm:s3], $0x40, s17, s8, $0xb8;
	[tilespmem:$0x3900] =	vst v63  }
0x54: {  	_ = 	snop  }
0x55: {  	[tilespmem:s9], [sflag:$0x1] =	stream.indirect.gather.add.f32 [hbm:s3], $0x40, s18, s8, $0xb8;
	[tilespmem:$0x3900] =	vst v63  }
0x56: {  	_ = 	snop  }
0x57: {  	[tilespmem:s9], [sflag:$0x1] =	stream.indirect.gather.add.f32 [hbm:s3], $0x40, s19, s8, $0xb8;
	[tilespmem:$0x3900] =	vst v63  }
0x58: {  	_ = 	snop  }
0x59: {  	[tilespmem:s9], [sflag:$0x1] =	stream.indirect.gather.add.f32 [hbm:s3], $0x40, s20, s8, $0xb8;
	[tilespmem:$0x3900] =	vst v63  }
0x5a: {  	_ = 	snop  }
0x5b: {  	[tilespmem:s9], [sflag:$0x1] =	stream.indirect.gather.add.f32 [hbm:s3], $0x40, s21, s8, $0xb8;
	[tilespmem:$0x3900] =	vst v63  }
0x5c: {  	_ = 	snop  }
0x5d: {  	[tilespmem:s9], [sflag:$0x1] =	stream.indirect.gather.add.f32 [hbm:s3], $0x40, s22, s8, $0xb8;
	[tilespmem:$0x3900] =	vst v63  }
0x5e: {  	_ = 	snop  }
0x5f: {  	[tilespmem:s9], [sflag:$0x1] =	stream.indirect.gather.add.f32 [hbm:s3], $0x40, s23, s8, $0xb8;
	[tilespmem:$0x3900] =	vst v63  }
0x60: {  	_ = 	snop  }
0x61: {  	[tilespmem:s9], [sflag:$0x1] =	stream.indirect.gather.add.f32 [hbm:s3], $0x40, s24, s8, $0xb8;
	[tilespmem:$0x3900] =	vst v63  }
0x62: {  	_ = 	snop  }
0x63: {  	[tilespmem:s9], [sflag:$0x1] =	stream.indirect.gather.add.f32 [hbm:s3], $0x40, s25, s8, $0xb8;
	[tilespmem:$0x3900] =	vst v63  }
0x64: {  	_ = 	snop  }
0x65: {  	[tilespmem:s9], [sflag:$0x1] =	stream.indirect.gather.add.f32 [hbm:s3], $0x40, s26, s8, $0xb8;
	[tilespmem:$0x3900] =	vst v63  }
0x66: {  	_ = 	snop  }
0x67: {  	[tilespmem:s9], [sflag:$0x1] =	stream.indirect.gather.add.f32 [hbm:s3], $0x40, s28, s8, $0xb8;
	[tilespmem:$0x3900] =	vst v63  }
0x68: {  	_ = 	snop  }
0x69: {  	[tilespmem:s9], [sflag:$0x1] =	stream.indirect.gather.add.f32 [hbm:s3], $0x40, s29, s8, $0xb8;
	[tilespmem:$0x3900] =	vst v63  }
0x6a: {  	_ = 	snop  }
0x6b: {  	[tilespmem:s9], [sflag:$0x1] =	stream.indirect.gather.add.f32 [hbm:s3], $0x40, s30, s8, $0xb8;
	[tilespmem:$0x3900] =	vst v63  }
0x6c: {  	_ = 	snop  }
0x6d: {  	[tilespmem:s9], [sflag:$0x1] =	stream.indirect.gather.add.f32 [hbm:s3], $0x40, s31, s8, $0xb8;
	[tilespmem:$0x3900] =	vst v63  }
0x6e: {  	_ = 	snop  }
0x6f: {  	[tilespmem:s9], [sflag:$0x1] =	stream.indirect.gather.add.f32 [hbm:s3], $0x40, s1, s8, $0xb8;
	[tilespmem:$0x3900] =	vst v63  }
0x70: {  	_ = 	snop  }
0x71: {  	[tilespmem:s9], [sflag:$0x1] =	stream.indirect.gather.add.f32 [hbm:s3], $0x40, s0, s8, $0xb8;
	[tilespmem:$0x3900] =	vst v63  }
0x72: {  	_ = 	snop  }
0x73: {  	[tilespmem:s9], [sflag:$0x1] =	stream.indirect.gather.add.f32 [hbm:s3], $0x40, s11, s8, $0xb8;
	[tilespmem:$0x3900] =	vst v63  }
0x74: {  	_ = 	snop  }
0x75: {  	[tilespmem:s9], [sflag:$0x1] =	stream.indirect.gather.add.f32 [hbm:s3], $0x40, s12, s8, $0xb8;
	[tilespmem:$0x3900] =	vst v63  }
0x76: {  	_ = 	snop  }
0x77: {  	[tilespmem:s9], [sflag:$0x1] =	stream.indirect.gather.add.f32 [hbm:s3], $0x40, s13, s8, $0xb8;
	[tilespmem:$0x3900] =	vst v63  }
0x78: {  	_ = 	snop  }
0x79: {  	[tilespmem:s9], [sflag:$0x1] =	stream.indirect.gather.add.f32 [hbm:s3], $0x40, s14, s8, $0xb8;
	[tilespmem:$0x3900] =	vst v63  }
0x7a: {  	_ =	swait.ge [sflag:s10], $0x2000  }
0x7b: {  	s16 =	simm.s32 $0x30;
	[sflag:s10] =	ssyncset.done $0x0  }
.LBB2_2:
0x7c: {  	p0 =	sne.s32 s16, $0x1;
	s16 =	sadd.s32 $0xFFFFFFFF, s16;
	[sflag:s10] =	ssyncadd.s32 $0xFFFFE000  }
.Ltmp0:
0x7d: {  	(pc) =	sbr.rel @p0 .LBB2_2-.Ltmp0, $3  }
0x7e: {  	_ =	sdelay $0x1  }
0x7f: {  	_ =	swait.ge [sflag:s10], $0x2000  }
0x80: {  	[sflag:s10] =	ssyncset.done $0x0  }
0x81: {  	s15 =	sadd.s32 $0x1, s15  }
0x82: {  	p0 =	sne.s32 s15, s6  }
.Ltmp1:
0x83: {  	[sflag:s10] =	ssyncadd.s32 $0xFFFFE000;
	(pc) =	sbr.rel @p0 .LBB2_1-.Ltmp1, $4  }
0x84: {  	[hbm4b:s5+s2] =	stream.linear.scatter [tilespmem:s9], [sflag:$0x2], $0x2000, $0x38;
	[tilespmem:$0x3900] =	vst v63  }
0x85: {  	_ =	swait.ge [sflag:s7], $0x2000  }
0x86: {  	[sflag:s7] =	ssyncset.done $0x0  }
0x87: {  	[sflag:s7] =	ssyncadd.s32 $0xFFFFE000  }
0x88: {  	_ =	sfence.sel $0x180000  }
0x89: {  	[bflag:$0x0] =	sbarrier.arrive $0xFFFF  }
0x8a: {  	_ =	strace $0x90000047  }
0x8b: {  	s0 =	stileid.u32;
	[bflag:$0x2] =	sbarrier.arrive $0xFFFF  }
0x8c: {  	p0 =	sne.s32 s0, $0x0;
	s0 =	rddreg [dreg:$0x2]  }
0x8d: {  	s0 =	sadd.s32 @!p0 $0x100000, s0  }
0x8e: {  	[sflag:s0] =	ssyncadd.tile.s32 @!p0 $0x1;
	_ =	shalt  }
.Lfunc_end2:
_tile_overlayer_lowered:
.L_overlay_start_2:
0x8f: {  	(tag) =	ssettag $0x2  }
0x90: {  	s0 =	rddreg [dreg:$0x0];
	s2 =	stileid.u32  }
0x91: {  	s1 =	rddreg [dreg:$0x1];
	p0 =	sne.s32 s2, $0x0  }
0x92: {  	s3 =	rddreg [dreg:$0x2];
	[bflag:$0x3] =	sbarrier.arrive $0xFFFF;
	s2 =	simm.s32 @!p0 $0x1C02  }
0x93: {  	[timem:s3], [sflag:s2] =	dma.local @!p0 [hbm:s0], s1  }
0x94: {  	s0 =	simm.s32 @!p0 $0x2  }
0x95: {  	_ =	swait.ge @!p0 [sflag:s0], s1  }
0x96: {  	s1 =	ssub.s32 @!p0 $0x0, s1;
	[sflag:s0] =	ssyncset.done @!p0 $0x0  }
0x97: {  	[sflag:s0] =	ssyncadd.s32 @!p0 s1  }
0x98: {  	[bflag:$0x3] =	sbarrier.arrive $0xFFFF  }
0x99: {  	_ =	shalt  }

</sc_bundles>
